<compile_context>
chip_gen: v7x
topology: tpu7x:2x2x1
jax: 0.10.2.dev20260603
libtpu: 0.0.44.dev20260713+nightly
codegen_flags: <defaults>
</compile_context>

<pallas_src>
import functools

import jax
import jax.numpy as jnp
from jax import lax
from jax.experimental import pallas as pl
from jax.experimental.pallas import tpu as pltpu
from jax.experimental.pallas import tpu_sc as plsc

H = 1_000_000
ALPHA = 0.01
L = 16
IDX_CHUNK = 64


def _make_sc_kernel(batch, num_workers, num_cores):
    n_per_w = batch // num_workers
    n_chunks = n_per_w // IDX_CHUNK
    mesh = plsc.VectorSubcoreMesh(core_axis_name="c", subcore_axis_name="s",
                                  num_cores=num_cores)

    @functools.partial(
        pl.kernel,
        mesh=mesh,
        out_type=jax.ShapeDtypeStruct((batch,), jnp.float32),
        scratch_types=[
            pltpu.VMEM((n_chunks, IDX_CHUNK), jnp.int32),
            pltpu.VMEM((n_per_w,), jnp.float32),
            pltpu.VMEM((n_per_w,), jnp.float32),
            pltpu.VMEM((L,), jnp.float32),
            pltpu.SemaphoreType.DMA,
            pltpu.SemaphoreType.DMA,
            pltpu.SemaphoreType.DMA,
        ],
    )
    def sc_kernel(ids_hbm, a_hbm, b_hbm, step_hbm, out_hbm,
                  q_v, a_v, b_v, step_v, sem_a, sem_b, sem_io):
        wid = lax.axis_index("s") * num_cores + lax.axis_index("c")
        base = wid * n_per_w

        for j in range(n_chunks):
            pltpu.async_copy(
                ids_hbm.at[pl.ds(base + j * IDX_CHUNK, IDX_CHUNK)],
                q_v.at[j], sem_io)
        cp_step = pltpu.async_copy(step_hbm, step_v.at[pl.ds(0, 1)], sem_io)

        def fire_chunk(j, carry):
            pltpu.make_async_copy(
                ids_hbm.at[pl.ds(base + j * IDX_CHUNK, IDX_CHUNK)],
                q_v.at[j], sem_io).wait()

            def mod16(i, c):
                ids16 = q_v[j, pl.ds(i * L, L)]
                lo = jnp.bitwise_and(ids16, jnp.int32(0xFFFF))
                pf = (ids16 - lo).astype(jnp.float32)
                k = (pf * jnp.float32(1e-6)).astype(jnp.int32)
                t = pf - k.astype(jnp.float32) * jnp.float32(H)
                r0 = t + lo.astype(jnp.float32)
                r = jnp.where(r0 >= jnp.float32(H), r0 - jnp.float32(H), r0)
                q_v[j, pl.ds(i * L, L)] = r.astype(jnp.int32)
                return c
            lax.fori_loop(0, IDX_CHUNK // L, mod16, 0)
            pltpu.async_copy(
                a_hbm.at[q_v.at[j]], a_v.at[pl.ds(j * IDX_CHUNK, IDX_CHUNK)],
                sem_a)
            pltpu.async_copy(
                b_hbm.at[q_v.at[j]], b_v.at[pl.ds(j * IDX_CHUNK, IDX_CHUNK)],
                sem_b)
            return carry

        lax.fori_loop(0, n_chunks, fire_chunk, 0)
        cp_step.wait()
        step16 = lax.gather(
            step_v[...], jnp.zeros((L, 1), jnp.int32),
            lax.GatherDimensionNumbers(offset_dims=(),
                                       collapsed_slice_dims=(0,),
                                       start_index_map=(0,)),
            slice_sizes=(1,), mode=lax.GatherScatterMode.PROMISE_IN_BOUNDS)

        def drain_chunk(j, carry):
            pltpu.make_async_copy(
                a_hbm.at[q_v.at[j]], a_v.at[pl.ds(j * IDX_CHUNK, IDX_CHUNK)],
                sem_a).wait()
            pltpu.make_async_copy(
                b_hbm.at[q_v.at[j]], b_v.at[pl.ds(j * IDX_CHUNK, IDX_CHUNK)],
                sem_b).wait()

            def comb16(i, c):
                a16 = a_v[pl.ds(j * IDX_CHUNK + i * L, L)]
                b16 = b_v[pl.ds(j * IDX_CHUNK + i * L, L)]
                denom = (1.0 - ALPHA) * b16 + ALPHA * (step16 - a16)
                b_v[pl.ds(j * IDX_CHUNK + i * L, L)] = 1.0 / (denom + 1e-8)
                return c
            lax.fori_loop(0, IDX_CHUNK // L, comb16, 0)
            pltpu.async_copy(
                b_v.at[pl.ds(j * IDX_CHUNK, IDX_CHUNK)],
                out_hbm.at[pl.ds(base + j * IDX_CHUNK, IDX_CHUNK)], sem_io)
            return carry

        lax.fori_loop(0, n_chunks, drain_chunk, 0)
        pltpu.make_async_copy(b_v, out_hbm.at[pl.ds(base, n_per_w)],
                              sem_io).wait()

    return sc_kernel


def kernel(batch_item_ids, A, B, step):
    batch = batch_item_ids.shape[0]
    info = plsc.get_sparse_core_info()
    num_cores = info.num_cores
    num_workers = num_cores * info.num_subcores
    step_vec = jnp.asarray(step, dtype=jnp.float32).reshape(1)
    sc = _make_sc_kernel(batch, num_workers, num_cores)
    return sc(batch_item_ids, A, B, step_vec)

# --- scband reference (transcript-rebuilt; emitter-appended) ---
"""Pipeline reference for scband-frequency-estimation-23630910062724 (READ-ONLY COPY).

The authoritative reference and input builder live on the scoring server;
editing this copy changes nothing except your own understanding.
"""

import jax, jax.numpy as jnp
import numpy as np

H = 1000000
ALPHA = 0.01
BATCH = 16384
ID_SPACE = 100000000


def setup_inputs(seed: int = 0) -> dict:
    key = jax.random.key(seed)
    k1, k2, k3 = jax.random.split(key, 3)
    batch_item_ids = jax.random.randint(k1, (BATCH,), 0, ID_SPACE, dtype=jnp.int32)
    # Buffers (state) of the module. Initialized randomly so the update math is non-trivial.
    A = jax.random.uniform(k2, (H,), dtype=jnp.float32)
    B = jax.random.uniform(k3, (H,), dtype=jnp.float32)
    step = jnp.asarray(1.0, dtype=jnp.float32)
    return {"batch_item_ids": batch_item_ids, "A": A, "B": B, "step": step}


def reference(batch_item_ids, A, B, step):
    # Faithful translation of FrequencyEstimation.update followed by get_prob
    # (the module has no explicit forward; update+get_prob is its operational path).
    unique_ids = jnp.unique(
        batch_item_ids, size=batch_item_ids.shape[0], fill_value=batch_item_ids[0]
    )
    h_ix = unique_ids % H
    # scatter-overwrite update of the B table (EMA of inter-arrival gap)
    B_new = B.at[h_ix].set((1.0 - ALPHA) * B[h_ix] + ALPHA * (step - A[h_ix]))
    # scatter-overwrite last-seen-step table A (state update; does not feed probs)
    A_new = A.at[h_ix].set(step)
    step_new = step + 1.0
    del A_new, step_new  # state updates; probability output is the returned tensor
    # gather: estimated sampling probability per item in the batch
    q_ix = batch_item_ids % H
    probs = 1.0 / (B_new[q_ix] + 1e-08)
    return probs

if __name__ == "__main__":
    import jax
    _d = setup_inputs()
    print(jax.jit(kernel)(*tuple(_d.values())))

</pallas_src>

<mosaic_0001>
#map = affine_map<(d0, d1) -> (0)>
module attributes {stable_mosaic.version = 14 : i64} {
  func.func @sc_kernel(%arg0: i32, %arg1: i32, %arg2: memref<16384xi32, #tpu.memory_space<hbm>>, %arg3: memref<1000000xf32, #tpu.memory_space<hbm>>, %arg4: memref<1000000xf32, #tpu.memory_space<hbm>>, %arg5: memref<1xf32, #tpu.memory_space<hbm>>, %arg6: memref<16384xf32, #tpu.memory_space<hbm>>, %arg7: memref<8x64xi32, #tpu.memory_space<vmem>>, %arg8: memref<512xf32, #tpu.memory_space<vmem>>, %arg9: memref<512xf32, #tpu.memory_space<vmem>>, %arg10: memref<16xf32, #tpu.memory_space<vmem>>, %arg11: memref<!tpu.dma_semaphore, #tpu.memory_space<semaphore_mem>>, %arg12: memref<!tpu.dma_semaphore, #tpu.memory_space<semaphore_mem>>, %arg13: memref<!tpu.dma_semaphore, #tpu.memory_space<semaphore_mem>>) attributes {dimension_semantics = [#tpu.dimension_semantics<core_parallel>, #tpu.dimension_semantics<subcore_parallel>], iteration_bounds = array<i64: 2, 16>, scalar_prefetch = 0 : i64, scratch_operands = 7 : i64, tpu.core_type = #tpu.core_type<sc_vector_subcore>, window_params = [{transform_indices = #map}, {transform_indices = #map}, {transform_indices = #map}, {transform_indices = #map}, {transform_indices = #map}]} {
    %mul3A = arith.constant 2 : i32
    %mul3A_0 = arith.muli %arg1, %mul3A : i32
    %add3A = arith.addi %mul3A_0, %arg0 : i32
    %mul3A_1 = arith.constant 512 : i32
    %mul3A_2 = arith.muli %add3A, %mul3A_1 : i32
    %add3A_3 = arith.constant 0 : i32
    %add3A_4 = arith.addi %mul3A_2, %add3A_3 : i32
    %dma_start3A = arith.constant 0 : i32
    %dma_start3A_5 = arith.constant 0 : i32
    %dma_start3A_6 = tpu.memref_slice %arg7[%dma_start3A, %dma_start3A_5] : memref<8x64xi32, #tpu.memory_space<vmem>> -> memref<1x64xi32, #tpu.memory_space<vmem>>
    %dma_start3A_7 = tpu.memref_squeeze %dma_start3A_6 : memref<1x64xi32, #tpu.memory_space<vmem>> -> memref<64xi32, #tpu.memory_space<vmem>>
    %dma_start3A_8 = tpu.memref_slice %arg2[%add3A_4] : memref<16384xi32, #tpu.memory_space<hbm>> -> memref<64xi32, #tpu.memory_space<hbm>>
    %dma_start3A_9 = arith.constant 0 : i32
    %dma_start3A_10 = tpu.memref_slice %arg7[%dma_start3A, %dma_start3A_9] : memref<8x64xi32, #tpu.memory_space<vmem>> -> memref<1x64xi32, #tpu.memory_space<vmem>>
    %dma_start3A_11 = tpu.memref_squeeze %dma_start3A_10 : memref<1x64xi32, #tpu.memory_space<vmem>> -> memref<64xi32, #tpu.memory_space<vmem>>
    %dma_start3A_12 = tpu.memref_slice %arg2[%add3A_4] : memref<16384xi32, #tpu.memory_space<hbm>> -> memref<64xi32, #tpu.memory_space<hbm>>
    tpu.enqueue_dma source(%dma_start3A_12 : memref<64xi32, #tpu.memory_space<hbm>>) target(%dma_start3A_11 : memref<64xi32, #tpu.memory_space<vmem>>) target_semaphore(%arg13 : memref<!tpu.dma_semaphore, #tpu.memory_space<semaphore_mem>>)
    %add3A_13 = arith.constant 64 : i32
    %add3A_14 = arith.addi %mul3A_2, %add3A_13 : i32
    %dma_start3A_15 = arith.constant 1 : i32
    %dma_start3A_16 = arith.constant 0 : i32
    %dma_start3A_17 = tpu.memref_slice %arg7[%dma_start3A_15, %dma_start3A_16] : memref<8x64xi32, #tpu.memory_space<vmem>> -> memref<1x64xi32, #tpu.memory_space<vmem>>
    %dma_start3A_18 = tpu.memref_squeeze %dma_start3A_17 : memref<1x64xi32, #tpu.memory_space<vmem>> -> memref<64xi32, #tpu.memory_space<vmem>>
    %dma_start3A_19 = tpu.memref_slice %arg2[%add3A_14] : memref<16384xi32, #tpu.memory_space<hbm>> -> memref<64xi32, #tpu.memory_space<hbm>>
    %dma_start3A_20 = arith.constant 0 : i32
    %dma_start3A_21 = tpu.memref_slice %arg7[%dma_start3A_15, %dma_start3A_20] : memref<8x64xi32, #tpu.memory_space<vmem>> -> memref<1x64xi32, #tpu.memory_space<vmem>>
    %dma_start3A_22 = tpu.memref_squeeze %dma_start3A_21 : memref<1x64xi32, #tpu.memory_space<vmem>> -> memref<64xi32, #tpu.memory_space<vmem>>
    %dma_start3A_23 = tpu.memref_slice %arg2[%add3A_14] : memref<16384xi32, #tpu.memory_space<hbm>> -> memref<64xi32, #tpu.memory_space<hbm>>
    tpu.enqueue_dma source(%dma_start3A_23 : memref<64xi32, #tpu.memory_space<hbm>>) target(%dma_start3A_22 : memref<64xi32, #tpu.memory_space<vmem>>) target_semaphore(%arg13 : memref<!tpu.dma_semaphore, #tpu.memory_space<semaphore_mem>>)
    %add3A_24 = arith.constant 128 : i32
    %add3A_25 = arith.addi %mul3A_2, %add3A_24 : i32
    %dma_start3A_26 = arith.constant 2 : i32
    %dma_start3A_27 = arith.constant 0 : i32
    %dma_start3A_28 = tpu.memref_slice %arg7[%dma_start3A_26, %dma_start3A_27] : memref<8x64xi32, #tpu.memory_space<vmem>> -> memref<1x64xi32, #tpu.memory_space<vmem>>
    %dma_start3A_29 = tpu.memref_squeeze %dma_start3A_28 : memref<1x64xi32, #tpu.memory_space<vmem>> -> memref<64xi32, #tpu.memory_space<vmem>>
    %dma_start3A_30 = tpu.memref_slice %arg2[%add3A_25] : memref<16384xi32, #tpu.memory_space<hbm>> -> memref<64xi32, #tpu.memory_space<hbm>>
    %dma_start3A_31 = arith.constant 0 : i32
    %dma_start3A_32 = tpu.memref_slice %arg7[%dma_start3A_26, %dma_start3A_31] : memref<8x64xi32, #tpu.memory_space<vmem>> -> memref<1x64xi32, #tpu.memory_space<vmem>>
    %dma_start3A_33 = tpu.memref_squeeze %dma_start3A_32 : memref<1x64xi32, #tpu.memory_space<vmem>> -> memref<64xi32, #tpu.memory_space<vmem>>
    %dma_start3A_34 = tpu.memref_slice %arg2[%add3A_25] : memref<16384xi32, #tpu.memory_space<hbm>> -> memref<64xi32, #tpu.memory_space<hbm>>
    tpu.enqueue_dma source(%dma_start3A_34 : memref<64xi32, #tpu.memory_space<hbm>>) target(%dma_start3A_33 : memref<64xi32, #tpu.memory_space<vmem>>) target_semaphore(%arg13 : memref<!tpu.dma_semaphore, #tpu.memory_space<semaphore_mem>>)
    %add3A_35 = arith.constant 192 : i32
    %add3A_36 = arith.addi %mul3A_2, %add3A_35 : i32
    %dma_start3A_37 = arith.constant 3 : i32
    %dma_start3A_38 = arith.constant 0 : i32
    %dma_start3A_39 = tpu.memref_slice %arg7[%dma_start3A_37, %dma_start3A_38] : memref<8x64xi32, #tpu.memory_space<vmem>> -> memref<1x64xi32, #tpu.memory_space<vmem>>
    %dma_start3A_40 = tpu.memref_squeeze %dma_start3A_39 : memref<1x64xi32, #tpu.memory_space<vmem>> -> memref<64xi32, #tpu.memory_space<vmem>>
    %dma_start3A_41 = tpu.memref_slice %arg2[%add3A_36] : memref<16384xi32, #tpu.memory_space<hbm>> -> memref<64xi32, #tpu.memory_space<hbm>>
    %dma_start3A_42 = arith.constant 0 : i32
    %dma_start3A_43 = tpu.memref_slice %arg7[%dma_start3A_37, %dma_start3A_42] : memref<8x64xi32, #tpu.memory_space<vmem>> -> memref<1x64xi32, #tpu.memory_space<vmem>>
    %dma_start3A_44 = tpu.memref_squeeze %dma_start3A_43 : memref<1x64xi32, #tpu.memory_space<vmem>> -> memref<64xi32, #tpu.memory_space<vmem>>
    %dma_start3A_45 = tpu.memref_slice %arg2[%add3A_36] : memref<16384xi32, #tpu.memory_space<hbm>> -> memref<64xi32, #tpu.memory_space<hbm>>
    tpu.enqueue_dma source(%dma_start3A_45 : memref<64xi32, #tpu.memory_space<hbm>>) target(%dma_start3A_44 : memref<64xi32, #tpu.memory_space<vmem>>) target_semaphore(%arg13 : memref<!tpu.dma_semaphore, #tpu.memory_space<semaphore_mem>>)
    %add3A_46 = arith.constant 256 : i32
    %add3A_47 = arith.addi %mul3A_2, %add3A_46 : i32
    %dma_start3A_48 = arith.constant 4 : i32
    %dma_start3A_49 = arith.constant 0 : i32
    %dma_start3A_50 = tpu.memref_slice %arg7[%dma_start3A_48, %dma_start3A_49] : memref<8x64xi32, #tpu.memory_space<vmem>> -> memref<1x64xi32, #tpu.memory_space<vmem>>
    %dma_start3A_51 = tpu.memref_squeeze %dma_start3A_50 : memref<1x64xi32, #tpu.memory_space<vmem>> -> memref<64xi32, #tpu.memory_space<vmem>>
    %dma_start3A_52 = tpu.memref_slice %arg2[%add3A_47] : memref<16384xi32, #tpu.memory_space<hbm>> -> memref<64xi32, #tpu.memory_space<hbm>>
    %dma_start3A_53 = arith.constant 0 : i32
    %dma_start3A_54 = tpu.memref_slice %arg7[%dma_start3A_48, %dma_start3A_53] : memref<8x64xi32, #tpu.memory_space<vmem>> -> memref<1x64xi32, #tpu.memory_space<vmem>>
    %dma_start3A_55 = tpu.memref_squeeze %dma_start3A_54 : memref<1x64xi32, #tpu.memory_space<vmem>> -> memref<64xi32, #tpu.memory_space<vmem>>
    %dma_start3A_56 = tpu.memref_slice %arg2[%add3A_47] : memref<16384xi32, #tpu.memory_space<hbm>> -> memref<64xi32, #tpu.memory_space<hbm>>
    tpu.enqueue_dma source(%dma_start3A_56 : memref<64xi32, #tpu.memory_space<hbm>>) target(%dma_start3A_55 : memref<64xi32, #tpu.memory_space<vmem>>) target_semaphore(%arg13 : memref<!tpu.dma_semaphore, #tpu.memory_space<semaphore_mem>>)
    %add3A_57 = arith.constant 320 : i32
    %add3A_58 = arith.addi %mul3A_2, %add3A_57 : i32
    %dma_start3A_59 = arith.constant 5 : i32
    %dma_start3A_60 = arith.constant 0 : i32
    %dma_start3A_61 = tpu.memref_slice %arg7[%dma_start3A_59, %dma_start3A_60] : memref<8x64xi32, #tpu.memory_space<vmem>> -> memref<1x64xi32, #tpu.memory_space<vmem>>
    %dma_start3A_62 = tpu.memref_squeeze %dma_start3A_61 : memref<1x64xi32, #tpu.memory_space<vmem>> -> memref<64xi32, #tpu.memory_space<vmem>>
    %dma_start3A_63 = tpu.memref_slice %arg2[%add3A_58] : memref<16384xi32, #tpu.memory_space<hbm>> -> memref<64xi32, #tpu.memory_space<hbm>>
    %dma_start3A_64 = arith.constant 0 : i32
    %dma_start3A_65 = tpu.memref_slice %arg7[%dma_start3A_59, %dma_start3A_64] : memref<8x64xi32, #tpu.memory_space<vmem>> -> memref<1x64xi32, #tpu.memory_space<vmem>>
    %dma_start3A_66 = tpu.memref_squeeze %dma_start3A_65 : memref<1x64xi32, #tpu.memory_space<vmem>> -> memref<64xi32, #tpu.memory_space<vmem>>
    %dma_start3A_67 = tpu.memref_slice %arg2[%add3A_58] : memref<16384xi32, #tpu.memory_space<hbm>> -> memref<64xi32, #tpu.memory_space<hbm>>
    tpu.enqueue_dma source(%dma_start3A_67 : memref<64xi32, #tpu.memory_space<hbm>>) target(%dma_start3A_66 : memref<64xi32, #tpu.memory_space<vmem>>) target_semaphore(%arg13 : memref<!tpu.dma_semaphore, #tpu.memory_space<semaphore_mem>>)
    %add3A_68 = arith.constant 384 : i32
    %add3A_69 = arith.addi %mul3A_2, %add3A_68 : i32
    %dma_start3A_70 = arith.constant 6 : i32
    %dma_start3A_71 = arith.constant 0 : i32
    %dma_start3A_72 = tpu.memref_slice %arg7[%dma_start3A_70, %dma_start3A_71] : memref<8x64xi32, #tpu.memory_space<vmem>> -> memref<1x64xi32, #tpu.memory_space<vmem>>
    %dma_start3A_73 = tpu.memref_squeeze %dma_start3A_72 : memref<1x64xi32, #tpu.memory_space<vmem>> -> memref<64xi32, #tpu.memory_space<vmem>>
    %dma_start3A_74 = tpu.memref_slice %arg2[%add3A_69] : memref<16384xi32, #tpu.memory_space<hbm>> -> memref<64xi32, #tpu.memory_space<hbm>>
    %dma_start3A_75 = arith.constant 0 : i32
    %dma_start3A_76 = tpu.memref_slice %arg7[%dma_start3A_70, %dma_start3A_75] : memref<8x64xi32, #tpu.memory_space<vmem>> -> memref<1x64xi32, #tpu.memory_space<vmem>>
    %dma_start3A_77 = tpu.memref_squeeze %dma_start3A_76 : memref<1x64xi32, #tpu.memory_space<vmem>> -> memref<64xi32, #tpu.memory_space<vmem>>
    %dma_start3A_78 = tpu.memref_slice %arg2[%add3A_69] : memref<16384xi32, #tpu.memory_space<hbm>> -> memref<64xi32, #tpu.memory_space<hbm>>
    tpu.enqueue_dma source(%dma_start3A_78 : memref<64xi32, #tpu.memory_space<hbm>>) target(%dma_start3A_77 : memref<64xi32, #tpu.memory_space<vmem>>) target_semaphore(%arg13 : memref<!tpu.dma_semaphore, #tpu.memory_space<semaphore_mem>>)
    %add3A_79 = arith.constant 448 : i32
    %add3A_80 = arith.addi %mul3A_2, %add3A_79 : i32
    %dma_start3A_81 = arith.constant 7 : i32
    %dma_start3A_82 = arith.constant 0 : i32
    %dma_start3A_83 = tpu.memref_slice %arg7[%dma_start3A_81, %dma_start3A_82] : memref<8x64xi32, #tpu.memory_space<vmem>> -> memref<1x64xi32, #tpu.memory_space<vmem>>
    %dma_start3A_84 = tpu.memref_squeeze %dma_start3A_83 : memref<1x64xi32, #tpu.memory_space<vmem>> -> memref<64xi32, #tpu.memory_space<vmem>>
    %dma_start3A_85 = tpu.memref_slice %arg2[%add3A_80] : memref<16384xi32, #tpu.memory_space<hbm>> -> memref<64xi32, #tpu.memory_space<hbm>>
    %dma_start3A_86 = arith.constant 0 : i32
    %dma_start3A_87 = tpu.memref_slice %arg7[%dma_start3A_81, %dma_start3A_86] : memref<8x64xi32, #tpu.memory_space<vmem>> -> memref<1x64xi32, #tpu.memory_space<vmem>>
    %dma_start3A_88 = tpu.memref_squeeze %dma_start3A_87 : memref<1x64xi32, #tpu.memory_space<vmem>> -> memref<64xi32, #tpu.memory_space<vmem>>
    %dma_start3A_89 = tpu.memref_slice %arg2[%add3A_80] : memref<16384xi32, #tpu.memory_space<hbm>> -> memref<64xi32, #tpu.memory_space<hbm>>
    tpu.enqueue_dma source(%dma_start3A_89 : memref<64xi32, #tpu.memory_space<hbm>>) target(%dma_start3A_88 : memref<64xi32, #tpu.memory_space<vmem>>) target_semaphore(%arg13 : memref<!tpu.dma_semaphore, #tpu.memory_space<semaphore_mem>>)
    %dma_start3A_90 = arith.constant 0 : i32
    %dma_start3A_91 = tpu.memref_slice %arg10[%dma_start3A_90] : memref<16xf32, #tpu.memory_space<vmem>> -> memref<1xf32, #tpu.memory_space<vmem>>
    %dma_start3A_92 = arith.constant 0 : i32
    %dma_start3A_93 = tpu.memref_slice %arg10[%dma_start3A_92] : memref<16xf32, #tpu.memory_space<vmem>> -> memref<1xf32, #tpu.memory_space<vmem>>
    tpu.enqueue_dma source(%arg5 : memref<1xf32, #tpu.memory_space<hbm>>) target(%dma_start3A_93 : memref<1xf32, #tpu.memory_space<vmem>>) target_semaphore(%arg13 : memref<!tpu.dma_semaphore, #tpu.memory_space<semaphore_mem>>)
    %scan3A = arith.constant 0 : i32
    %scan3A_94 = arith.constant 0 : i32
    %scan3A_95 = arith.constant 8 : i32
    %scan3A_96 = arith.addi %scan3A_94, %scan3A_95 : i32
    %scan3A_97 = arith.constant 1 : i32
    scf.for %scan3A_114 = %scan3A_94 to %scan3A_96 step %scan3A_97  : i32 {
      %mul3A_115 = arith.constant 64 : i32
      %mul3A_116 = arith.muli %scan3A_114, %mul3A_115 : i32
      %add3A_117 = arith.addi %mul3A_2, %mul3A_116 : i32
      %dma_wait3A_118 = arith.constant 0 : i32
      %dma_wait3A_119 = tpu.memref_slice %arg7[%scan3A_114, %dma_wait3A_118] : memref<8x64xi32, #tpu.memory_space<vmem>> -> memref<1x64xi32, #tpu.memory_space<vmem>>
      %dma_wait3A_120 = tpu.memref_squeeze %dma_wait3A_119 : memref<1x64xi32, #tpu.memory_space<vmem>> -> memref<64xi32, #tpu.memory_space<vmem>>
      %dma_wait3A_121 = tpu.memref_slice %arg2[%add3A_117] : memref<16384xi32, #tpu.memory_space<hbm>> -> memref<64xi32, #tpu.memory_space<hbm>>
      %dma_wait3A_122 = arith.constant 0 : i32
      %dma_wait3A_123 = tpu.memref_slice %arg7[%scan3A_114, %dma_wait3A_122] : memref<8x64xi32, #tpu.memory_space<vmem>> -> memref<1x64xi32, #tpu.memory_space<vmem>>
      %dma_wait3A_124 = tpu.memref_squeeze %dma_wait3A_123 : memref<1x64xi32, #tpu.memory_space<vmem>> -> memref<64xi32, #tpu.memory_space<vmem>>
      %dma_wait3A_125 = tpu.memref_slice %arg2[%add3A_117] : memref<16384xi32, #tpu.memory_space<hbm>> -> memref<64xi32, #tpu.memory_space<hbm>>
      tpu.wait_dma2 semaphore(%arg13 : memref<!tpu.dma_semaphore, #tpu.memory_space<semaphore_mem>>) src(%dma_wait3A_125 : memref<64xi32, #tpu.memory_space<hbm>>) dst(%dma_wait3A_124 : memref<64xi32, #tpu.memory_space<vmem>>)
      %scan3A_126 = arith.constant 0 : i32
      %scan3A_127 = arith.constant 0 : i32
      %scan3A_128 = arith.constant 4 : i32
      %scan3A_129 = arith.addi %scan3A_127, %scan3A_128 : i32
      %scan3A_130 = arith.constant 1 : i32
      scf.for %scan3A_148 = %scan3A_127 to %scan3A_129 step %scan3A_130  : i32 {
        %mul3A_149 = arith.constant 16 : i32
        %mul3A_150 = arith.muli %scan3A_148, %mul3A_149 : i32
        %get3A_151 = arith.index_cast %scan3A_114 : i32 to index
        %get3A_152 = arith.index_cast %mul3A_150 : i32 to index
        %get3A_153 = tpu.vector_load %arg7[%get3A_151, %get3A_152] {strides = array<i32>} : memref<8x64xi32, #tpu.memory_space<vmem>>, vector<1x16xi32>,
        %get3A_154 = vector.shape_cast %get3A_153 : vector<1x16xi32> to vector<16xi32>
        %and3A = arith.constant 65535 : i32
        %and3A_155 = vector.broadcast %and3A : i32 to vector<16xi32>
        %and3A_156 = arith.andi %get3A_154, %and3A_155 : vector<16xi32>
        %sub3A = arith.subi %get3A_154, %and3A_156 : vector<16xi32>
        %convert_element_type3A = arith.sitofp %sub3A : vector<16xi32> to vector<16xf32>
        %mul3A_157 = arith.constant 9.99999997E-7 : f32
        %mul3A_158 = vector.broadcast %mul3A_157 : f32 to vector<16xf32>
        %mul3A_159 = arith.mulf %convert_element_type3A, %mul3A_158 : vector<16xf32>
        %convert_element_type3A_160 = arith.fptosi %mul3A_159 : vector<16xf32> to vector<16xi32>
        %convert_element_type3A_161 = arith.sitofp %convert_element_type3A_160 : vector<16xi32> to vector<16xf32>
        %mul3A_162 = arith.constant 1.000000e+06 : f32
        %mul3A_163 = vector.broadcast %mul3A_162 : f32 to vector<16xf32>
        %mul3A_164 = arith.mulf %convert_element_type3A_161, %mul3A_163 : vector<16xf32>
        %sub3A_165 = arith.subf %convert_element_type3A, %mul3A_164 : vector<16xf32>
        %convert_element_type3A_166 = arith.sitofp %and3A_156 : vector<16xi32> to vector<16xf32>
        %add3A_167 = arith.addf %sub3A_165, %convert_element_type3A_166 : vector<16xf32>
        %ge3A = arith.constant 1.000000e+06 : f32
        %ge3A_168 = vector.broadcast %ge3A : f32 to vector<16xf32>
        %ge3A_169 = arith.cmpf oge, %add3A_167, %ge3A_168 : vector<16xf32>
        %sub3A_170 = arith.constant 1.000000e+06 : f32
        %sub3A_171 = vector.broadcast %sub3A_170 : f32 to vector<16xf32>
        %sub3A_172 = arith.subf %add3A_167, %sub3A_171 : vector<16xf32>
        %select_n3A = arith.select %ge3A_169, %sub3A_172, %add3A_167 : vector<16xi1>, vector<16xf32>
        %convert_element_type3A_173 = arith.fptosi %select_n3A : vector<16xf32> to vector<16xi32>
        %mul3A_174 = arith.constant 16 : i32
        %mul3A_175 = arith.muli %scan3A_148, %mul3A_174 : i32
        %swap3A = arith.index_cast %scan3A_114 : i32 to index
        %swap3A_176 = arith.index_cast %mul3A_175 : i32 to index
        %swap3A_177 = tpu.vector_load %arg7[%swap3A, %swap3A_176] {strides = array<i32>} : memref<8x64xi32, #tpu.memory_space<vmem>>, vector<1x16xi32>,
        %swap3A_178 = vector.shape_cast %swap3A_177 : vector<1x16xi32> to vector<16xi32>
        %swap3A_179 = vector.shape_cast %convert_element_type3A_173 : vector<16xi32> to vector<1x16xi32>
        tpu.vector_store %arg7[%swap3A, %swap3A_176], %swap3A_179 {strides = array<i32>} : memref<8x64xi32, #tpu.memory_space<vmem>>, vector<1x16xi32>,
      }
      %scan3A_131 = arith.constant 4 : i32
      %mul3A_132 = arith.constant 64 : i32
      %mul3A_133 = arith.muli %scan3A_114, %mul3A_132 : i32
      %dma_start3A_134 = tpu.memref_slice %arg8[%mul3A_133] : memref<512xf32, #tpu.memory_space<vmem>> -> memref<64xf32, #tpu.memory_space<vmem>>
      %dma_start3A_135 = arith.constant 0 : i32
      %dma_start3A_136 = tpu.memref_slice %arg7[%scan3A_114, %dma_start3A_135] : memref<8x64xi32, #tpu.memory_space<vmem>> -> memref<1x64xi32, #tpu.memory_space<vmem>>
      %dma_start3A_137 = tpu.memref_squeeze %dma_start3A_136 : memref<1x64xi32, #tpu.memory_space<vmem>> -> memref<64xi32, #tpu.memory_space<vmem>>
      %dma_start3A_138 = arith.constant 0 : i32
      %dma_start3A_139 = tpu.memref_slice %arg3[%dma_start3A_138] : memref<1000000xf32, #tpu.memory_space<hbm>> -> memref<1000000xf32, #tpu.memory_space<hbm>>
      tpu.enqueue_indirect_dma source(%dma_start3A_139 : memref<1000000xf32, #tpu.memory_space<hbm>>) target(%dma_start3A_134 : memref<64xf32, #tpu.memory_space<vmem>>) offsets(%dma_start3A_137 : memref<64xi32, #tpu.memory_space<vmem>>) semaphore(%arg11 : memref<!tpu.dma_semaphore, #tpu.memory_space<semaphore_mem>>)
      %mul3A_140 = arith.constant 64 : i32
      %mul3A_141 = arith.muli %scan3A_114, %mul3A_140 : i32
      %dma_start3A_142 = tpu.memref_slice %arg9[%mul3A_141] : memref<512xf32, #tpu.memory_space<vmem>> -> memref<64xf32, #tpu.memory_space<vmem>>
      %dma_start3A_143 = arith.constant 0 : i32
      %dma_start3A_144 = tpu.memref_slice %arg7[%scan3A_114, %dma_start3A_143] : memref<8x64xi32, #tpu.memory_space<vmem>> -> memref<1x64xi32, #tpu.memory_space<vmem>>
      %dma_start3A_145 = tpu.memref_squeeze %dma_start3A_144 : memref<1x64xi32, #tpu.memory_space<vmem>> -> memref<64xi32, #tpu.memory_space<vmem>>
      %dma_start3A_146 = arith.constant 0 : i32
      %dma_start3A_147 = tpu.memref_slice %arg4[%dma_start3A_146] : memref<1000000xf32, #tpu.memory_space<hbm>> -> memref<1000000xf32, #tpu.memory_space<hbm>>
      tpu.enqueue_indirect_dma source(%dma_start3A_147 : memref<1000000xf32, #tpu.memory_space<hbm>>) target(%dma_start3A_142 : memref<64xf32, #tpu.memory_space<vmem>>) offsets(%dma_start3A_145 : memref<64xi32, #tpu.memory_space<vmem>>) semaphore(%arg12 : memref<!tpu.dma_semaphore, #tpu.memory_space<semaphore_mem>>)
    }
    %scan3A_98 = arith.constant 8 : i32
    %dma_wait3A = arith.constant 0 : i32
    %dma_wait3A_99 = tpu.memref_slice %arg10[%dma_wait3A] : memref<16xf32, #tpu.memory_space<vmem>> -> memref<1xf32, #tpu.memory_space<vmem>>
    %dma_wait3A_100 = arith.constant 0 : i32
    %dma_wait3A_101 = tpu.memref_slice %arg10[%dma_wait3A_100] : memref<16xf32, #tpu.memory_space<vmem>> -> memref<1xf32, #tpu.memory_space<vmem>>
    tpu.wait_dma2 semaphore(%arg13 : memref<!tpu.dma_semaphore, #tpu.memory_space<semaphore_mem>>) src(%arg5 : memref<1xf32, #tpu.memory_space<hbm>>) dst(%dma_wait3A_101 : memref<1xf32, #tpu.memory_space<vmem>>)
    %get3A = arith.constant 0 : index
    %get3A_102 = tpu.vector_load %arg10[%get3A] {strides = array<i32>} : memref<16xf32, #tpu.memory_space<vmem>>, vector<16xf32>,
    %get3A_103 = vector.shape_cast %get3A_102 : vector<16xf32> to vector<16xf32>
    %broadcast_in_dim3A = arith.constant 0 : i32
    %broadcast_in_dim3A_104 = vector.broadcast %broadcast_in_dim3A : i32 to vector<16x1xi32>
    %gather3A = vector.shape_cast %broadcast_in_dim3A_104 : vector<16x1xi32> to vector<16xi32>
    %gather3A_105 = tpu.dynamic_gather %get3A_103[%gather3A] in [0] : vector<16xf32>, vector<16xi32> -> vector<16xf32>
    %scan3A_106 = arith.constant 0 : i32
    %scan3A_107 = arith.constant 0 : i32
    %scan3A_108 = arith.constant 8 : i32
    %scan3A_109 = arith.addi %scan3A_107, %scan3A_108 : i32
    %scan3A_110 = arith.constant 1 : i32
    scf.for %scan3A_114 = %scan3A_107 to %scan3A_109 step %scan3A_110  : i32 {
      %mul3A_115 = arith.constant 64 : i32
      %mul3A_116 = arith.muli %scan3A_114, %mul3A_115 : i32
      %dma_wait3A_117 = tpu.memref_slice %arg8[%mul3A_116] : memref<512xf32, #tpu.memory_space<vmem>> -> memref<64xf32, #tpu.memory_space<vmem>>
      %dma_wait3A_118 = arith.constant 0 : i32
      %dma_wait3A_119 = tpu.memref_slice %arg7[%scan3A_114, %dma_wait3A_118] : memref<8x64xi32, #tpu.memory_space<vmem>> -> memref<1x64xi32, #tpu.memory_space<vmem>>
      %dma_wait3A_120 = tpu.memref_squeeze %dma_wait3A_119 : memref<1x64xi32, #tpu.memory_space<vmem>> -> memref<64xi32, #tpu.memory_space<vmem>>
      %dma_wait3A_121 = arith.constant 0 : i32
      %dma_wait3A_122 = tpu.memref_slice %arg3[%dma_wait3A_121] : memref<1000000xf32, #tpu.memory_space<hbm>> -> memref<1000000xf32, #tpu.memory_space<hbm>>
      tpu.wait_indirect_dma semaphore(%arg11 : memref<!tpu.dma_semaphore, #tpu.memory_space<semaphore_mem>>) src(%dma_wait3A_122 : memref<1000000xf32, #tpu.memory_space<hbm>>) dst(%dma_wait3A_117 : memref<64xf32, #tpu.memory_space<vmem>>)
      %mul3A_123 = arith.constant 64 : i32
      %mul3A_124 = arith.muli %scan3A_114, %mul3A_123 : i32
      %dma_wait3A_125 = tpu.memref_slice %arg9[%mul3A_124] : memref<512xf32, #tpu.memory_space<vmem>> -> memref<64xf32, #tpu.memory_space<vmem>>
      %dma_wait3A_126 = arith.constant 0 : i32
      %dma_wait3A_127 = tpu.memref_slice %arg7[%scan3A_114, %dma_wait3A_126] : memref<8x64xi32, #tpu.memory_space<vmem>> -> memref<1x64xi32, #tpu.memory_space<vmem>>
      %dma_wait3A_128 = tpu.memref_squeeze %dma_wait3A_127 : memref<1x64xi32, #tpu.memory_space<vmem>> -> memref<64xi32, #tpu.memory_space<vmem>>
      %dma_wait3A_129 = arith.constant 0 : i32
      %dma_wait3A_130 = tpu.memref_slice %arg4[%dma_wait3A_129] : memref<1000000xf32, #tpu.memory_space<hbm>> -> memref<1000000xf32, #tpu.memory_space<hbm>>
      tpu.wait_indirect_dma semaphore(%arg12 : memref<!tpu.dma_semaphore, #tpu.memory_space<semaphore_mem>>) src(%dma_wait3A_130 : memref<1000000xf32, #tpu.memory_space<hbm>>) dst(%dma_wait3A_125 : memref<64xf32, #tpu.memory_space<vmem>>)
      %scan3A_131 = arith.constant 0 : i32
      %scan3A_132 = arith.constant 0 : i32
      %scan3A_133 = arith.constant 4 : i32
      %scan3A_134 = arith.addi %scan3A_132, %scan3A_133 : i32
      %scan3A_135 = arith.constant 1 : i32
      scf.for %scan3A_146 = %scan3A_132 to %scan3A_134 step %scan3A_135  : i32 {
        %mul3A_147 = arith.constant 64 : i32
        %mul3A_148 = arith.muli %scan3A_114, %mul3A_147 : i32
        %mul3A_149 = arith.constant 16 : i32
        %mul3A_150 = arith.muli %scan3A_146, %mul3A_149 : i32
        %add3A_151 = arith.addi %mul3A_148, %mul3A_150 : i32
        %get3A_152 = arith.index_cast %add3A_151 : i32 to index
        %get3A_153 = tpu.vector_load %arg8[%get3A_152] {strides = array<i32>} : memref<512xf32, #tpu.memory_space<vmem>>, vector<16xf32>,
        %get3A_154 = vector.shape_cast %get3A_153 : vector<16xf32> to vector<16xf32>
        %mul3A_155 = arith.constant 64 : i32
        %mul3A_156 = arith.muli %scan3A_114, %mul3A_155 : i32
        %mul3A_157 = arith.constant 16 : i32
        %mul3A_158 = arith.muli %scan3A_146, %mul3A_157 : i32
        %add3A_159 = arith.addi %mul3A_156, %mul3A_158 : i32
        %get3A_160 = arith.index_cast %add3A_159 : i32 to index
        %get3A_161 = tpu.vector_load %arg9[%get3A_160] {strides = array<i32>} : memref<512xf32, #tpu.memory_space<vmem>>, vector<16xf32>,
        %get3A_162 = vector.shape_cast %get3A_161 : vector<16xf32> to vector<16xf32>
        %mul3A_163 = arith.constant 9.900000e-01 : f32
        %mul3A_164 = vector.broadcast %mul3A_163 : f32 to vector<16xf32>
        %mul3A_165 = arith.mulf %mul3A_164, %get3A_162 : vector<16xf32>
        %sub3A = arith.subf %gather3A_105, %get3A_154 : vector<16xf32>
        %mul3A_166 = arith.constant 0.00999999977 : f32
        %mul3A_167 = vector.broadcast %mul3A_166 : f32 to vector<16xf32>
        %mul3A_168 = arith.mulf %mul3A_167, %sub3A : vector<16xf32>
        %add3A_169 = arith.addf %mul3A_165, %mul3A_168 : vector<16xf32>
        %add3A_170 = arith.constant 9.99999993E-9 : f32
        %add3A_171 = vector.broadcast %add3A_170 : f32 to vector<16xf32>
        %add3A_172 = arith.addf %add3A_169, %add3A_171 : vector<16xf32>
        %div3A = arith.constant 1.000000e+00 : f32
        %div3A_173 = vector.broadcast %div3A : f32 to vector<16xf32>
        %div3A_174 = arith.divf %div3A_173, %add3A_172 : vector<16xf32>
        %mul3A_175 = arith.constant 64 : i32
        %mul3A_176 = arith.muli %scan3A_114, %mul3A_175 : i32
        %mul3A_177 = arith.constant 16 : i32
        %mul3A_178 = arith.muli %scan3A_146, %mul3A_177 : i32
        %add3A_179 = arith.addi %mul3A_176, %mul3A_178 : i32
        %swap3A = arith.index_cast %add3A_179 : i32 to index
        %swap3A_180 = tpu.vector_load %arg9[%swap3A] {strides = array<i32>} : memref<512xf32, #tpu.memory_space<vmem>>, vector<16xf32>,
        %swap3A_181 = vector.shape_cast %swap3A_180 : vector<16xf32> to vector<16xf32>
        %swap3A_182 = vector.shape_cast %div3A_174 : vector<16xf32> to vector<16xf32>
        tpu.vector_store %arg9[%swap3A], %swap3A_182 {strides = array<i32>} : memref<512xf32, #tpu.memory_space<vmem>>, vector<16xf32>,
      }
      %scan3A_136 = arith.constant 4 : i32
      %mul3A_137 = arith.constant 64 : i32
      %mul3A_138 = arith.muli %scan3A_114, %mul3A_137 : i32
      %mul3A_139 = arith.constant 64 : i32
      %mul3A_140 = arith.muli %scan3A_114, %mul3A_139 : i32
      %add3A_141 = arith.addi %mul3A_2, %mul3A_140 : i32
      %dma_start3A_142 = tpu.memref_slice %arg9[%mul3A_138] : memref<512xf32, #tpu.memory_space<vmem>> -> memref<64xf32, #tpu.memory_space<vmem>>
      %dma_start3A_143 = tpu.memref_slice %arg6[%add3A_141] : memref<16384xf32, #tpu.memory_space<hbm>> -> memref<64xf32, #tpu.memory_space<hbm>>
      %dma_start3A_144 = tpu.memref_slice %arg6[%add3A_141] : memref<16384xf32, #tpu.memory_space<hbm>> -> memref<64xf32, #tpu.memory_space<hbm>>
      %dma_start3A_145 = tpu.memref_slice %arg9[%mul3A_138] : memref<512xf32, #tpu.memory_space<vmem>> -> memref<64xf32, #tpu.memory_space<vmem>>
      tpu.enqueue_dma source(%dma_start3A_145 : memref<64xf32, #tpu.memory_space<vmem>>) target(%dma_start3A_144 : memref<64xf32, #tpu.memory_space<hbm>>) target_semaphore(%arg13 : memref<!tpu.dma_semaphore, #tpu.memory_space<semaphore_mem>>)
    }
    %scan3A_111 = arith.constant 8 : i32
    %dma_wait3A_112 = tpu.memref_slice %arg6[%mul3A_2] : memref<16384xf32, #tpu.memory_space<hbm>> -> memref<512xf32, #tpu.memory_space<hbm>>
    %dma_wait3A_113 = tpu.memref_slice %arg6[%mul3A_2] : memref<16384xf32, #tpu.memory_space<hbm>> -> memref<512xf32, #tpu.memory_space<hbm>>
    tpu.wait_dma2 semaphore(%arg13 : memref<!tpu.dma_semaphore, #tpu.memory_space<semaphore_mem>>) src(%arg9 : memref<512xf32, #tpu.memory_space<vmem>>) dst(%dma_wait3A_113 : memref<512xf32, #tpu.memory_space<hbm>>)
    return
  }
}

</mosaic_0001>

<sc_bundles>
// kernel: kernel.3.cloned.1.call-start
scs
__scs_entry_jumppad:
0x0: {  	(pc) =	sbr.rel $0x88, $3  }
0x1: {  	(tag) =	ssettag $0x0;
	lr =	simm.s32 $0x1  }
0x2: {  	[smem:$0x3F9D] =	sst lr;
	_ =	strace $0xD0000000  }
0x3: {  	_ = 	snop  }
0x4: {  	_ = 	snop  }
0x5: {  	_ = 	snop  }
0x6: {  	_ = 	snop  }
0x7: {  	_ = 	snop  }
__scs_overlays_trampoline_lowered:
0x8: {  	[smem:$0x3FAC] =	sst s0  }
0x9: {  	[smem:$0x3FAD] =	sst s1  }
0xa: {  	[smem:$0x3FAE] =	sst s2  }
0xb: {  	[smem:$0x3FAF] =	sst s3  }
0xc: {  	[smem:$0x3FB0] =	sst s4  }
0xd: {  	[smem:$0x3FB1] =	sst s5  }
0xe: {  	[smem:$0x3FB2] =	sst s6  }
0xf: {  	[smem:$0x3FB3] =	sst s7  }
0x10: {  	[smem:$0x3FB4] =	sst s8  }
0x11: {  	[smem:$0x3FB5] =	sst s9;
	s0 =	simm.s32 @!p0 $0x0  }
0x12: {  	s1 =	sld [smem:$0x3F9B];
	s0 =	simm.s32 @p0 $0x1  }
0x13: {  	[smem:$0x3FB6] =	sst s0;
	s0 =	simm.s32 @!p1 $0x0  }
0x14: {  	s2 =	sld [smem:$0x3F9A];
	s0 =	simm.s32 @p1 $0x1  }
0x15: {  	[smem:$0x3FB7] =	sst s0;
	s0 =	simm.s32 @!p2 $0x0  }
0x16: {  	s3 =	sld [smem:$0x3FDB];
	s0 =	simm.s32 @p2 $0x1  }
0x17: {  	s4 =	simm.s32 $0x1BF5;
	[smem:$0x3FB9] =	sst s0  }
0x18: {  	s0 =	sld [smem:$0x3F9C];
	_ =	swait.ge [sflag:s4], $0x0  }
0x19: {  	s7 =	sld [smem:$0x3F9D]  }
0x1a: {  	s8 =	sadd.s32 $0xFFFFE003, lr  }
0x1b: {  	s9 =	sadd.s32 $0xFFFFFEF7, lr;
	s5 =	simm.s32 $0xFFFFFFFF;
	p2 =	slt.u32 s8, $0xFFFFF086  }
0x1c: {  	p1 =	slt.u32 s9, $0xF7A;
	s5 =	simm.s32 @!p2 $0x0  }
0x1d: {  	s5 =	simm.s32 @p1 $0x1;
	p0 =	seq.s32 s7, s2  }
0x1e: {  	s7 =	smul.u32 @!p0 $0xF7A, s2;
	p2 =	seq.s32 @!p0 s5, $0x0  }
0x1f: {  	s9 =	smul.u32 $0xF7A, s1;
	s8 =	simm.s32 @!p0 $0x1BF5;
	p2 =	por !p2, p0  }
0x20: {  	[sflag:s8] =	ssyncset.s32 @!p0 $0xFFFFF086;
	s6 =	sadd.s32 @!p0 s3, s7;
	s7 =	simm.s32 @!p0 $0x108  }
0x21: {  	s3 =	sadd.s32 s3, s9;
	s6 =	sadd.s32 @!p0 $0x88, s6;
	s7 =	simm.s32 @p2 $0x1082  }
0x22: {  	[simem:s7], [sflag:s8] =	dma.local @!p0 [hbm:s6], $0xF7A  }
0x23: {  	s9 =	sor.u32 $0xD0000000, s2;
	s6 =	simm.s32 $0x108;
	_ =	swait.ge @!p0 [sflag:s8], $0x0  }
0x24: {  	s3 =	sadd.s32 $0x88, s3;
	s6 =	simm.s32 @!p1 $0x1082;
	[sflag:s4] =	ssyncset.s32 $0xFFFFF086  }
0x25: {  	[simem:s6], [sflag:s4] =	dma.local [hbm:s3], $0xF7A  }
0x26: {  	[smem:$0x3F9D] =	sst s1;
	(tag) =	ssettag s2;
	_ =	strace s9  }
0x27: {  	s1 =	sld [smem:$0x3FAD]  }
0x28: {  	s2 =	sld [smem:$0x3FAE]  }
0x29: {  	s4 =	sld [smem:$0x3FB0]  }
0x2a: {  	p0 =	seq.s32 s5, $0x0;
	s5 =	sld [smem:$0x3FB1]  }
0x2b: {  	s6 =	sld [smem:$0x3FB2]  }
0x2c: {  	s7 =	sld [smem:$0x3FB3]  }
0x2d: {  	s3 =	simm.s32 $0x108;
	s8 =	sld [smem:$0x3FB4]  }
0x2e: {  	s3 =	simm.s32 @!p0 $0x1082;
	s9 =	sld [smem:$0x3FB5]  }
0x2f: {  	lr =	sadd.s32 s0, s3;
	s0 =	sld [smem:$0x3FAC]  }
0x30: {  	s3 =	sld [smem:$0x3FAF]  }
0x31: {  	[smem:$0x3FB8] =	sst s10  }
0x32: {  	s10 =	sld [smem:$0x3FB6];
	_ =	sdelay $0x3  }
0x33: {  	p0 =	seq.s32 s10, $0x1;
	s10 =	sld [smem:$0x3FB8];
	_ =	sdelay $0x3  }
0x34: {  	[smem:$0x3FB8] =	sst s10  }
0x35: {  	s10 =	sld [smem:$0x3FB7];
	_ =	sdelay $0x3  }
0x36: {  	p1 =	seq.s32 s10, $0x1;
	s10 =	sld [smem:$0x3FB8];
	_ =	sdelay $0x3  }
0x37: {  	[smem:$0x3FB8] =	sst s10  }
0x38: {  	s10 =	sld [smem:$0x3FB9]  }
0x39: {  	_ = 	snop;
	(pc) =	sbr.ind lr, $3  }
0x3a: {  	_ = 	snop  }
0x3b: {  	_ = 	snop  }
0x3c: {  	p2 =	seq.s32 s10, $0x1;
	s10 =	sld [smem:$0x3FB8]  }
0x3d: {  	_ =	shalt  }
0x3e: {  	_ =	shalt  }
0x3f: {  	_ =	shalt  }
0x40: {  	_ =	shalt  }
0x41: {  	_ =	shalt  }
0x42: {  	_ =	shalt  }
0x43: {  	_ =	shalt  }
0x44: {  	_ =	shalt  }
0x45: {  	_ =	shalt  }
0x46: {  	_ =	shalt  }
0x47: {  	_ =	shalt  }
0x48: {  	_ =	shalt  }
0x49: {  	_ =	shalt  }
0x4a: {  	_ =	shalt  }
0x4b: {  	_ =	shalt  }
0x4c: {  	_ =	shalt  }
0x4d: {  	_ =	shalt  }
0x4e: {  	_ =	shalt  }
0x4f: {  	_ =	shalt  }
0x50: {  	_ =	shalt  }
0x51: {  	_ =	shalt  }
0x52: {  	_ =	shalt  }
0x53: {  	_ =	shalt  }
0x54: {  	_ =	shalt  }
0x55: {  	_ =	shalt  }
0x56: {  	_ =	shalt  }
0x57: {  	_ =	shalt  }
0x58: {  	_ =	shalt  }
0x59: {  	_ =	shalt  }
0x5a: {  	_ =	shalt  }
0x5b: {  	_ =	shalt  }
0x5c: {  	_ =	shalt  }
0x5d: {  	_ =	shalt  }
0x5e: {  	_ =	shalt  }
0x5f: {  	_ =	shalt  }
0x60: {  	_ =	shalt  }
0x61: {  	_ =	shalt  }
0x62: {  	_ =	shalt  }
0x63: {  	_ =	shalt  }
0x64: {  	_ =	shalt  }
0x65: {  	_ =	shalt  }
0x66: {  	_ =	shalt  }
0x67: {  	_ =	shalt  }
0x68: {  	_ =	shalt  }
0x69: {  	_ =	shalt  }
0x6a: {  	_ =	shalt  }
0x6b: {  	_ =	shalt  }
0x6c: {  	_ =	shalt  }
0x6d: {  	_ =	shalt  }
0x6e: {  	_ =	shalt  }
0x6f: {  	_ =	shalt  }
0x70: {  	_ =	shalt  }
0x71: {  	_ =	shalt  }
0x72: {  	_ =	shalt  }
0x73: {  	_ =	shalt  }
0x74: {  	_ =	shalt  }
0x75: {  	_ =	shalt  }
0x76: {  	_ =	shalt  }
0x77: {  	_ =	shalt  }
0x78: {  	_ =	shalt  }
0x79: {  	_ =	shalt  }
0x7a: {  	_ =	shalt  }
0x7b: {  	_ =	shalt  }
0x7c: {  	_ =	shalt  }
0x7d: {  	_ =	shalt  }
0x7e: {  	_ =	shalt  }
0x7f: {  	_ =	shalt  }
0x80: {  	_ =	shalt  }
0x81: {  	_ =	shalt  }
0x82: {  	_ =	shalt  }
0x83: {  	_ =	shalt  }
0x84: {  	_ =	shalt  }
0x85: {  	_ =	shalt  }
0x86: {  	_ =	shalt  }
0x87: {  	_ =	shalt  }
.Lfunc_end0:
.L_simem_size_0:
called_computation_lowered:
.L_overlay_start_0:
0x88: {  	s2 =	sld [smem:$0x3FD9]  }
0x89: {  	s3 =	sld [smem:$0x3FFE];
	_ =	sdelay $0x1  }
0x8a: {  	s1 =	srdreg.scid  }
0x8b: {  	s0 =	sand.u32 $0x1, s1  }
0x8c: {  	s18 =	sshll.u32 s0, $0xA;
	s2 =	sadd.s32 s3, s2  }
0x8d: {  	s2 =	sadd.s32 s2, s18  }
0x8e: {  	[smem:$0x3FC4] =	sst s2  }
0x8f: {  	_ = 	snop  }
0x90: {  	s2 =	sld [smem:$0x3FC9]  }
0x91: {  	s19 =	sld [smem:$0x3FC8]  }
0x92: {  	s4 =	sld [smem:$0x3FC7]  }
0x93: {  	s5 =	sld [smem:$0x3FC6]  }
0x94: {  	s6 =	sld [smem:$0x3FD0];
	(tm) =	ssettm $0x1  }
0x95: {  	s7 =	sld [smem:$0x3FFB];
	_ =	sdelay $0x3  }
0x96: {  	_ =	strace s7  }
0x97: {  	s7 =	sld [smem:$0x3FFC];
	_ =	sdelay $0x3  }
0x98: {  	_ =	strace s7  }
0x99: {  	s7 =	sld [smem:$0x3FFD];
	_ =	sdelay $0x3  }
0x9a: {  	_ =	strace s7  }
0x9b: {  	_ =	strace $0x8FFFFFFF  }
0x9c: {  	s20 =	sld [smem:$0x3FDB];
	_ =	sdelay $0x1  }
0x9d: {  	s8 =	simm.s32 $_scs_section_size  }
0x9e: {  	s9 =	simm.s32 $_size__tile_overlayer_lowered;
	s10 =	simm.s32 $_tile_overlayer_lowered  }
0x9f: {  	s23 =	simm.s32 $0x1BFF;
	s22 =	sshll.u32 s10, $0x1;
	s7 =	sadd.s32 s8, s20  }
0xa0: {  	s11 =	simm.s32 $0x0;
	s21 =	sshll.u32 s9, $0x1;
	s9 =	sadd.s32 s22, s7  }
0xa1: {  	[timem:s11], [sflag:s23] =	dma.local [hbm:s9], s21  }
0xa2: {  	_ =	swait.ge [sflag:s23], s21  }
0xa3: {  	s8 =	ssub.s32 $0x0, s21;
	[sflag:s23] =	ssyncset.done $0x0  }
0xa4: {  	[sflag:s23] =	ssyncadd.s32 s8;
	_ =	sdelay $0x1  }
0xa5: {  	s24 =	simm.s32 $0x1B8B  }
0xa6: {  	_ =	swait.ge [sflag:s24], $0x1  }
0xa7: {  	[sflag:s24] =	ssyncset.done $0x0  }
0xa8: {  	s25 =	simm.s32 $0x1B8E;
	[sflag:s24] =	ssyncadd.s32 $0xFFFFFFFF  }
0xa9: {  	s26 =	simm.s32 $execute0_lowered;
	[smem:$0x3FD2] =	sst s25  }
0xaa: {  	s8 =	sshll.u32 s26, $0x1;
	_ =	strace $0x80000046;
	[dreg:$0x1] =	wrdreg $0xFFFFFFFF  }
0xab: {  	s28 =	simm.s32 $_size_execute0_lowered;
	s7 =	sadd.s32 s7, s8;
	[dreg:$0x0] =	wrdreg $0x0  }
0xac: {  	s8 =	sshll.u32 s28, $0x1;
	[dreg:$0x2] =	wrdreg s7  }
0xad: {  	[dreg:$0x3] =	wrdreg s8  }
0xae: {  	[dreg:$0x4] =	wrdreg $0xC0  }
0xaf: {  	_ =	task [dreg:s11], $0x5FFFF  }
0xb0: {  	[dreg:$0x1] =	wrdreg $0xFFFFFFFF  }
0xb1: {  	[dreg:$0x0] =	wrdreg $0x60  }
0xb2: {  	[dreg:$0x2] =	wrdreg s2  }
0xb3: {  	[dreg:$0x3] =	wrdreg s19  }
0xb4: {  	[dreg:$0x4] =	wrdreg s4  }
0xb5: {  	[dreg:$0x5] =	wrdreg s5  }
0xb6: {  	[dreg:$0x6] =	wrdreg s6  }
0xb7: {  	[dreg:$0x7] =	wrdreg $0x9  }
0xb8: {  	_ =	task.clear_ibuf [dreg:s11], $0x8FFFF;
	_ =	strace $0x90000046  }
0xb9: {  	s29 =	simm.s32 $0x9;
	_ =	strace $0x80000048  }
0xba: {  	_ =	swait.ge [sflag:s29], $0x1  }
0xbb: {  	[sflag:s29] =	ssyncadd.s32 $0xFFFFFFFF  }
0xbc: {  	_ =	strace $0x90000048  }
0xbd: {  	_ =	sfence  }
0xbe: {  	s30 =	sld [smem:$0x0];
	_ =	sdelay $0x2  }
0xbf: {  	s31 =	sshll.u32 s1, $0xD;
	s1 =	sshrl.u32 s1, $0x2  }
0xc0: {  	s3 =	sand.u32 $0x4000, s31;
	s1 =	sadd.s32 s1, s30  }
0xc1: {  	s0 =	sor.u32 s3, s0;
	s1 =	sshll.u32 s1, $0x11  }
0xc2: {  	s0 =	sor.u32 s1, s0  }
0xc3: {  	s0 =	sadd.s32 $0x8F2B, s0  }
0xc4: {  	[sflag:s0] =	ssyncadd.remote.s32 $0x1  }
0xc5: {  	_ =	sfence.sel $0xFFFF  }
0xc6: {  	[dreg:$0x0] =	wrdreg $0xFFFFFFFF;
	(pc) =	sbr.abs _section_cstart, $3  }
0xc7: {  	[dreg:$0x1] =	wrdreg $0xFFFFFFFF  }
0xc8: {  	_ =	task.clear_ibuf [dreg:s11], $0x2FFFF;
	_ =	strace $0x9FFFFFFF  }
0xc9: {  	(tm) =	ssettm $0x7FFFFFFF  }
tec
execute0_lowered:
.L_overlay_start_1:
0x0: {  	(tag) =	ssettag $0x1  }
0x1: {  	s0 =	rddreg [dreg:$0x0]  }
0x2: {  	s1 =	rddreg [dreg:$0x1]  }
0x3: {  	s2 =	rddreg [dreg:$0x2];
	s3 =	srdreg.scid  }
0x4: {  	s4 =	stileid.u32;
	s15 =	rddreg [dreg:$0x4]  }
0x5: {  	s17 =	simm.s32 $0x100;
	s18 =	simm.s32 $0x180;
	s19 =	simm.s32 $0x200  }
0x6: {  	s20 =	simm.s32 $0x280;
	s21 =	simm.s32 $0x300;
	s22 =	simm.s32 $0x380  }
0x7: {  	s23 =	simm.s32 $0x800;
	s24 =	simm.s32 $0x3;
	s25 =	simm.s32 $0x40  }
0x8: {  	s26 =	simm.s32 $0x1;
	s28 =	simm.s32 $0x2;
	s3 =	sand.u32 $0x1, s3  }
0x9: {  	s29 =	simm.s32 $0x0;
	s5 =	sshll.u32 s4, $0xA;
	s6 =	sshll.u32 s3, $0x9  }
0xa: {  	s3 =	ssub.s32 $0x2, s3;
	s6 =	sor.u32 s6, s5;
	s5 =	simm.s32 $0x0  }
0xb: {  	s7 =	sshrl.u32 s3, $0x1;
	s16 =	sshrl.u32 s6, $0x3;
	[smem:$0x7FF] =	sst s5  }
0xc: {  	s31 =	ssub.s32 s3, s7;
	s6 =	sadd.s32 s0, s16;
	_ =	strace $0x80000047  }
0xd: {  	s14 =	smax.u32 s31, $0x1;
	s15 =	sadd.s32 s16, s15;
	s7 =	sadd.s32 $0x8, s6  }
0xe: {  	s8 =	sadd.s32 $0x10, s6;
	s9 =	sadd.s32 $0x18, s6;
	s10 =	sadd.s32 $0x20, s6  }
0xf: {  	v0 =	vimm.s32 $0x0;
	s11 =	sadd.s32 $0x28, s6;
	s12 =	sadd.s32 $0x30, s6;
	s13 =	sadd.s32 $0x38, s6  }
.LBB2_1:
0x10: {  	[tilespmem:s5], [sflag:$0x3] =	stream.linear.gather [hbm4b:s6+s5], $0x40, $0x38;
	[tilespmem:$0x880] =	vst v63  }
0x11: {  	s0 =	simm.s32 $0x80  }
0x12: {  	[tilespmem:s0], [sflag:$0x3] =	stream.linear.gather [hbm4b:s7+s5], $0x40, $0x38;
	[tilespmem:$0x880] =	vst v63  }
0x13: {  	_ = 	snop  }
0x14: {  	[tilespmem:s17], [sflag:$0x3] =	stream.linear.gather [hbm4b:s8+s5], $0x40, $0x38;
	[tilespmem:$0x880] =	vst v63  }
0x15: {  	_ = 	snop  }
0x16: {  	[tilespmem:s18], [sflag:$0x3] =	stream.linear.gather [hbm4b:s9+s5], $0x40, $0x38;
	[tilespmem:$0x880] =	vst v63  }
0x17: {  	_ = 	snop  }
0x18: {  	[tilespmem:s19], [sflag:$0x3] =	stream.linear.gather [hbm4b:s10+s5], $0x40, $0x38;
	[tilespmem:$0x880] =	vst v63  }
0x19: {  	_ = 	snop  }
0x1a: {  	[tilespmem:s20], [sflag:$0x3] =	stream.linear.gather [hbm4b:s11+s5], $0x40, $0x38;
	[tilespmem:$0x880] =	vst v63  }
0x1b: {  	_ = 	snop  }
0x1c: {  	[tilespmem:s21], [sflag:$0x3] =	stream.linear.gather [hbm4b:s12+s5], $0x40, $0x38;
	[tilespmem:$0x880] =	vst v63  }
0x1d: {  	_ = 	snop  }
0x1e: {  	[tilespmem:s22], [sflag:$0x3] =	stream.linear.gather [hbm4b:s13+s5], $0x40, $0x38;
	[tilespmem:$0x880] =	vst v63  }
0x1f: {  	s16 =	rddreg [dreg:$0x3]  }
0x20: {  	[tilespmem:s23], [sflag:$0x3] =	stream.linear.gather [hbm4b:s16+s5], $0x1, $0x38;
	[tilespmem:$0x880] =	vst v63  }
0x21: {  	_ =	swait.ge [sflag:s24], $0x40  }
0x22: {  	[sflag:s24] =	ssyncset.done $0x0  }
0x23: {  	[sflag:s24] =	ssyncadd.s32 $0xFFFFFFC0  }
0x24: {  	v1 =	vld [tilespmem:s5+$0x0]  }
0x25: {  	v2 =	vld [tilespmem:s5+$0x20]  }
0x26: {  	v3 =	vld [tilespmem:s5+$0x10]  }
0x27: {  	v4 =	vld [tilespmem:s5+$0x30];
	_ =	sdelay $0x3  }
0x28: {  	v5 =	vand.u32 $0xFFFF0000, v1;
	v6 =	vand.u32 $0xFFFF0000, v2;
	v7 =	vand.u32 $0xFFFF0000, v3  }
0x29: {  	v9 =	vand.u32 $0xFFFF0000, v4;
	v5 =	vcvt.s32.f32 v5;
	v6 =	vcvt.s32.f32 v6  }
0x2a: {  	v7 =	vcvt.s32.f32 v7;
	v9 =	vcvt.s32.f32 v9  }
0x2b: {  	v8 =	vmul.f32 $9.999999970e-07, v5;
	v10 =	vmul.f32 $9.999999970e-07, v6  }
0x2c: {  	v11 =	vmul.f32 $9.999999970e-07, v7;
	v12 =	vmul.f32 $9.999999970e-07, v9  }
0x2d: {  	v8 =	vtrunc.f32 v8;
	v10 =	vtrunc.f32 v10  }
0x2e: {  	v11 =	vtrunc.f32 v11;
	v10 =	vcvt.f32.s32 v10  }
0x2f: {  	v12 =	vtrunc.f32 v12;
	v11 =	vcvt.f32.s32 v11  }
0x30: {  	v1 =	vand.u32 $0xFFFF, v1;
	v12 =	vcvt.f32.s32 v12;
	v10 =	vcvt.s32.f32 v10  }
0x31: {  	v2 =	vand.u32 $0xFFFF, v2;
	v8 =	vcvt.f32.s32 v8;
	v11 =	vcvt.s32.f32 v11  }
0x32: {  	v3 =	vand.u32 $0xFFFF, v3;
	v12 =	vcvt.s32.f32 v12;
	v10 =	vmul.f32 $1.000000000e+06, v10  }
0x33: {  	v4 =	vand.u32 $0xFFFF, v4;
	v8 =	vcvt.s32.f32 v8;
	v11 =	vmul.f32 $1.000000000e+06, v11  }
0x34: {  	v2 =	vcvt.s32.f32 v2;
	v62 =	vmul.f32 $1.000000000e+06, v12;
	v6 =	vsub.f32 v6, v10  }
0x35: {  	v3 =	vcvt.s32.f32 v3;
	v8 =	vmul.f32 $1.000000000e+06, v8;
	v7 =	vsub.f32 v7, v11  }
0x36: {  	v63 =	vcvt.s32.f32 v4;
	v9 =	vsub.f32 v9, v62;
	v2 =	vadd.f32 v2, v6  }
0x37: {  	s3 =	simm.s32 $0x100;
	v4 =	vsub.f32 v5, v8;
	v5 =	vcvt.s32.f32 v1;
	v1 =	vadd.f32 v3, v7  }
0x38: {  	s30 =	simm.s32 $0x0;
	s31 =	simm.s32 $0x0;
	s0 =	simm.s32 $0x0;
	v3 =	vadd.f32 v63, v9;
	vm0 =	vge.f32 v2, $1.000000000e+06;
	v6 =	vadd.f32 $-1.000000000e+06, v2  }
.LBB2_2:
0x39: {  	p0 =	sne.s32 s3, $0x700  }
0x3a: {  	v4 =	vadd.f32 v5, v4;
	s0 =	sadd.s32 $0x80, s0;
	s4 =	smov.u32 s3;
	s3 =	sadd.s32 $0x100, s3  }
0x3b: {  	v2 =	vsel vm0, v6, v2;
	vm0 =	vge.f32 v3, $1.000000000e+06;
	v5 =	vadd.f32 $-1.000000000e+06, v3  }
0x3c: {  	vm1 =	vge.f32 v4, $1.000000000e+06;
	v6 =	vadd.f32 $-1.000000000e+06, v4;
	v2 =	vtrunc.f32 v2  }
0x3d: {  	v7 =	vadd.f32 $-1.000000000e+06, v1;
	v2 =	vcvt.f32.s32 v2;
	v3 =	vsel vm0, v5, v3  }
0x3e: {  	vm0 =	vge.f32 v1, $1.000000000e+06;
	v4 =	vsel vm1, v6, v4;
	v3 =	vtrunc.f32 v3  }
0x3f: {  	v1 =	vsel vm0, v7, v1;
	v4 =	vtrunc.f32 v4;
	[tilespmem:s30+$0x20] =	vst v2;
	v2 =	vcvt.f32.s32 v3  }
0x40: {  	v1 =	vtrunc.f32 v1;
	v3 =	vcvt.f32.s32 v4  }
0x41: {  	v1 =	vcvt.f32.s32 v1;
	[tilespmem:s30+$0x30] =	vst v2  }
0x42: {  	s16 =	sshra.s32 s31, $0x2;
	s31 =	smov.u32 s4;
	[tilespmem:s30+$0x0] =	vst v3  }
0x43: {  	s4 =	sadd.s32 $0x400, s16;
	[tilespmem:s30+$0x10] =	vst v1  }
0x44: {  	[tilespmem:s4], [sflag:$0x1] =	stream.indirect.gather [hbm4b:s1+s25], $0x1, s30, s25, $0xb8;
	[tilespmem:$0x880] =	vst v63  }
0x45: {  	s4 =	sadd.s32 $0x600, s16  }
0x46: {  	[tilespmem:s4], [sflag:$0x2] =	stream.indirect.gather [hbm4b:s2+s25], $0x1, s30, s25, $0xb8;
	[tilespmem:$0x880] =	vst v63  }
0x47: {  	s30 =	smov.u32 s0;
	_ =	swait.ge [sflag:s24], $0x40  }
0x48: {  	[sflag:s24] =	ssyncset.done $0x0  }
0x49: {  	[sflag:s24] =	ssyncadd.s32 $0xFFFFFFC0  }
0x4a: {  	v1 =	vld [tilespmem:s0+$0x0]  }
0x4b: {  	v2 =	vld [tilespmem:s0+$0x20]  }
0x4c: {  	v3 =	vld [tilespmem:s0+$0x10]  }
0x4d: {  	v4 =	vld [tilespmem:s0+$0x30];
	_ =	sdelay $0x1  }
0x4e: {  	v5 =	vand.u32 $0xFFFF, v1;
	v1 =	vand.u32 $0xFFFF0000, v1  }
0x4f: {  	v1 =	vcvt.s32.f32 v1;
	v6 =	vand.u32 $0xFFFF, v2;
	v2 =	vand.u32 $0xFFFF0000, v2  }
0x50: {  	v7 =	vand.u32 $0xFFFF, v3;
	v3 =	vand.u32 $0xFFFF0000, v3;
	v2 =	vcvt.s32.f32 v2  }
0x51: {  	v8 =	vmul.f32 $9.999999970e-07, v1;
	v3 =	vcvt.s32.f32 v3;
	v9 =	vand.u32 $0xFFFF0000, v4  }
0x52: {  	v4 =	vand.u32 $0xFFFF, v4;
	v10 =	vmul.f32 $9.999999970e-07, v2;
	v9 =	vcvt.s32.f32 v9  }
0x53: {  	v8 =	vtrunc.f32 v8;
	v11 =	vmul.f32 $9.999999970e-07, v3  }
0x54: {  	v10 =	vtrunc.f32 v10;
	v12 =	vmul.f32 $9.999999970e-07, v9  }
0x55: {  	v11 =	vtrunc.f32 v11;
	v10 =	vcvt.f32.s32 v10  }
0x56: {  	v11 =	vcvt.f32.s32 v11;
	v12 =	vtrunc.f32 v12  }
0x57: {  	v10 =	vcvt.s32.f32 v10;
	v12 =	vcvt.f32.s32 v12  }
0x58: {  	v8 =	vcvt.f32.s32 v8;
	v11 =	vcvt.s32.f32 v11  }
0x59: {  	v10 =	vmul.f32 $1.000000000e+06, v10;
	v12 =	vcvt.s32.f32 v12  }
0x5a: {  	v8 =	vcvt.s32.f32 v8;
	v11 =	vmul.f32 $1.000000000e+06, v11  }
.Ltmp0:
0x5b: {  	v6 =	vcvt.s32.f32 v6;
	v2 =	vsub.f32 v2, v10;
	v10 =	vmul.f32 $1.000000000e+06, v12;
	(pc) =	sbr.rel @p0 .LBB2_2-.Ltmp0, $4  }
0x5c: {  	v7 =	vcvt.s32.f32 v7;
	v8 =	vmul.f32 $1.000000000e+06, v8;
	v3 =	vsub.f32 v3, v11  }
0x5d: {  	v2 =	vadd.f32 v6, v2;
	v9 =	vsub.f32 v9, v10;
	v10 =	vcvt.s32.f32 v4  }
0x5e: {  	v5 =	vcvt.s32.f32 v5;
	v4 =	vsub.f32 v1, v8;
	v1 =	vadd.f32 v7, v3  }
0x5f: {  	vm0 =	vge.f32 v2, $1.000000000e+06;
	v6 =	vadd.f32 $-1.000000000e+06, v2;
	v3 =	vadd.f32 v10, v9  }
0x60: {  	v4 =	vadd.f32 v5, v4  }
0x61: {  	v7 =	vadd.f32 $-1.000000000e+06, v1;
	vm15 =	vge.f32 v1, $1.000000000e+06;
	v2 =	vsel vm0, v6, v2  }
0x62: {  	vm14 =	vge.f32 v3, $1.000000000e+06;
	v56 =	vadd.f32 $-1.000000000e+06, v3;
	vm1 =	vge.f32 v4, $1.000000000e+06  }
0x63: {  	v57 =	vadd.f32 $-1.000000000e+06, v4;
	v2 =	vtrunc.f32 v2;
	v1 =	vsel vm15, v7, v1  }
0x64: {  	v2 =	vcvt.f32.s32 v2;
	v3 =	vsel vm14, v56, v3;
	v1 =	vtrunc.f32 v1  }
0x65: {  	v4 =	vsel vm1, v57, v4;
	v3 =	vtrunc.f32 v3;
	v1 =	vcvt.f32.s32 v1  }
0x66: {  	v4 =	vtrunc.f32 v4;
	v3 =	vcvt.f32.s32 v3;
	[tilespmem:s30+$0x20] =	vst v2  }
0x67: {  	v2 =	vcvt.f32.s32 v4;
	[tilespmem:s30+$0x10] =	vst v1  }
0x68: {  	s0 =	sshra.s32 s31, $0x2;
	[tilespmem:s30+$0x30] =	vst v3  }
0x69: {  	s3 =	sadd.s32 $0x400, s0;
	[tilespmem:s30+$0x0] =	vst v2  }
0x6a: {  	[tilespmem:s3], [sflag:$0x1] =	stream.indirect.gather [hbm4b:s1+s25], $0x1, s30, s25, $0xb8;
	[tilespmem:$0x880] =	vst v63  }
0x6b: {  	s0 =	sadd.s32 $0x600, s0  }
0x6c: {  	[tilespmem:s0], [sflag:$0x2] =	stream.indirect.gather [hbm4b:s2+s25], $0x1, s30, s25, $0xb8;
	[tilespmem:$0x880] =	vst v63  }
0x6d: {  	_ =	swait.ge [sflag:s24], $0x1  }
0x6e: {  	[sflag:s24] =	ssyncset.done $0x0  }
0x6f: {  	[sflag:s24] =	ssyncadd.s32 $0xFFFFFFFF  }
0x70: {  	v1 =	vld [tilespmem:$0x800];
	_ =	swait.ge [sflag:s26], $0x40  }
0x71: {  	[sflag:s26] =	ssyncset.done $0x0  }
0x72: {  	[sflag:s26] =	ssyncadd.s32 $0xFFFFFFC0  }
0x73: {  	_ =	swait.ge [sflag:s28], $0x40  }
0x74: {  	[sflag:s28] =	ssyncset.done $0x0  }
0x75: {  	s0 =	simm.s32 $0x0;
	[sflag:s28] =	ssyncadd.s32 $0xFFFFFFC0  }
0x76: {  	v2 =	vld [tilespmem:s0+$0x620]  }
0x77: {  	v3 =	vld [tilespmem:s0+$0x630]  }
0x78: {  	v58 =	vld [tilespmem:s0+$0x430]  }
0x79: {  	v59 =	vld [tilespmem:s0+$0x420]  }
0x7a: {  	v60 =	vld [tilespmem:s0+$0x410]  }
0x7b: {  	v1 =	vperm.xlane v1, v0;
	v61 =	vld [tilespmem:s0+$0x400]  }
0x7c: {  	v8 =	vld [tilespmem:s0+$0x610]  }
0x7d: {  	v9 =	vld [tilespmem:s0+$0x600];
	v4 =	vsub.f32 v1, v58  }
0x7e: {  	v5 =	vsub.f32 v1, v59  }
0x7f: {  	v6 =	vsub.f32 v1, v60;
	v3 =	vmul.f32 $9.900000090e-01, v3;
	v4 =	vmul.f32 $9.999999770e-03, v4  }
0x80: {  	v7 =	vsub.f32 v1, v61;
	v2 =	vmul.f32 $9.900000090e-01, v2;
	v5 =	vmul.f32 $9.999999770e-03, v5  }
0x81: {  	v8 =	vmul.f32 $9.900000090e-01, v8;
	v6 =	vmul.f32 $9.999999770e-03, v6;
	v3 =	vadd.f32 v4, v3  }
0x82: {  	v62 =	vmul.f32 $9.900000090e-01, v9;
	v7 =	vmul.f32 $9.999999770e-03, v7;
	v2 =	vadd.f32 v5, v2  }
0x83: {  	v63 =	vadd.f32 v6, v8;
	v3 =	vadd.f32 $9.999999930e-09, v3  }
0x84: {  	v4 =	vadd.f32 v7, v62;
	v2 =	vadd.f32 $9.999999930e-09, v2  }
0x85: {  	v5 =	vadd.f32 $9.999999930e-09, v63;
	(erf) = vrcp.f32 v3  }
0x86: {  	v3 =	vadd.f32 $9.999999930e-09, v4;
	(erf) = vrcp.f32 v2  }
0x87: {  	(erf) = vrcp.f32 v5  }
0x88: {  	s31 =	smov.u32 s15;
	s3 =	smov.u32 s15;
	s30 =	simm.s32 $0x100;
	(erf) = vrcp.f32 v3  }
.LBB2_4:
0x89: {  	_ =	sdelay $0x3  }
0x8a: {  	p0 =	sne.s32 s30, $0x700  }
0x8b: {  	s31 =	sadd.s32 $0x8, s31;
	s4 =	smov.u32 s30;
	s30 =	sadd.s32 $0x100, s30;
	v2 =	vpop (erf)  }
0x8c: {  	[tilespmem:s0+$0x630] =	vst v2;
	v2 =	vpop (erf)  }
0x8d: {  	[tilespmem:s0+$0x620] =	vst v2;
	v2 =	vpop (erf)  }
0x8e: {  	[tilespmem:s0+$0x610] =	vst v2;
	v2 =	vpop (erf)  }
0x8f: {  	s16 =	sadd.s32 $0x600, s0;
	[tilespmem:s0+$0x600] =	vst v2  }
0x90: {  	[hbm4b:s3+s5] =	stream.linear.scatter [tilespmem:s16], [sflag:$0x3], $0x40, $0x38;
	[tilespmem:$0x880] =	vst v63  }
0x91: {  	s3 =	smov.u32 s31;
	_ =	swait.ge [sflag:s26], $0x40  }
0x92: {  	[sflag:s26] =	ssyncset.done $0x0  }
0x93: {  	[sflag:s26] =	ssyncadd.s32 $0xFFFFFFC0  }
0x94: {  	_ =	swait.ge [sflag:s28], $0x40  }
0x95: {  	[sflag:s28] =	ssyncset.done $0x0  }
0x96: {  	s0 =	sshra.s32 s4, $0x2;
	[sflag:s28] =	ssyncadd.s32 $0xFFFFFFC0  }
0x97: {  	v2 =	vld [tilespmem:s0+$0x620]  }
0x98: {  	v3 =	vld [tilespmem:s0+$0x630]  }
0x99: {  	v4 =	vld [tilespmem:s0+$0x430]  }
0x9a: {  	v5 =	vld [tilespmem:s0+$0x420]  }
0x9b: {  	v6 =	vld [tilespmem:s0+$0x410]  }
0x9c: {  	v7 =	vld [tilespmem:s0+$0x400]  }
0x9d: {  	v8 =	vld [tilespmem:s0+$0x610]  }
0x9e: {  	v9 =	vld [tilespmem:s0+$0x600];
	v4 =	vsub.f32 v1, v4  }
0x9f: {  	v5 =	vsub.f32 v1, v5  }
0xa0: {  	v3 =	vmul.f32 $9.900000090e-01, v3;
	v6 =	vsub.f32 v1, v6;
	v4 =	vmul.f32 $9.999999770e-03, v4  }
0xa1: {  	v2 =	vmul.f32 $9.900000090e-01, v2;
	v7 =	vsub.f32 v1, v7;
	v5 =	vmul.f32 $9.999999770e-03, v5  }
0xa2: {  	v8 =	vmul.f32 $9.900000090e-01, v8;
	v6 =	vmul.f32 $9.999999770e-03, v6;
	v3 =	vadd.f32 v4, v3  }
0xa3: {  	v4 =	vmul.f32 $9.900000090e-01, v9;
	v7 =	vmul.f32 $9.999999770e-03, v7;
	v2 =	vadd.f32 v5, v2  }
0xa4: {  	v5 =	vadd.f32 v6, v8;
	v3 =	vadd.f32 $9.999999930e-09, v3  }
.Ltmp1:
0xa5: {  	v4 =	vadd.f32 v7, v4;
	v2 =	vadd.f32 $9.999999930e-09, v2;
	(pc) =	sbr.rel @p0 .LBB2_4-.Ltmp1, $4  }
0xa6: {  	v5 =	vadd.f32 $9.999999930e-09, v5;
	(erf) = vrcp.f32 v3  }
0xa7: {  	v3 =	vadd.f32 $9.999999930e-09, v4;
	(erf) = vrcp.f32 v2  }
0xa8: {  	(erf) = vrcp.f32 v5  }
0xa9: {  	(erf) = vrcp.f32 v3  }
0xaa: {  	_ =	sdelay $0x4  }
0xab: {  	v1 =	vpop (erf)  }
0xac: {  	[tilespmem:s0+$0x630] =	vst v1;
	v1 =	vpop (erf)  }
0xad: {  	s29 =	sadd.s32 $0x1, s29;
	[tilespmem:s0+$0x620] =	vst v1;
	v1 =	vpop (erf)  }
0xae: {  	p0 =	sne.s32 s29, s14;
	[tilespmem:s0+$0x610] =	vst v1;
	v1 =	vpop (erf)  }
.Ltmp2:
0xaf: {  	s4 =	sadd.s32 $0x600, s0;
	[tilespmem:s0+$0x600] =	vst v1;
	(pc) =	sbr.rel @p0 .LBB2_1-.Ltmp2, $4  }
0xb0: {  	[hbm4b:s3+s5] =	stream.linear.scatter [tilespmem:s4], [sflag:$0x3], $0x40, $0x38;
	[tilespmem:$0x880] =	vst v63  }
0xb1: {  	_ =	swait.ge [sflag:s24], $0x200  }
0xb2: {  	[sflag:s24] =	ssyncset.done $0x0  }
0xb3: {  	[sflag:s24] =	ssyncadd.s32 $0xFFFFFE00  }
0xb4: {  	_ =	sfence.sel $0x180000  }
0xb5: {  	[bflag:$0x0] =	sbarrier.arrive $0xFFFF  }
0xb6: {  	_ =	strace $0x90000047  }
0xb7: {  	s0 =	stileid.u32;
	[bflag:$0x2] =	sbarrier.arrive $0xFFFF  }
0xb8: {  	p0 =	sne.s32 s0, $0x0;
	s0 =	rddreg [dreg:$0x5]  }
0xb9: {  	s0 =	sadd.s32 @!p0 $0x100000, s0  }
0xba: {  	[sflag:s0] =	ssyncadd.tile.s32 @!p0 $0x1;
	_ =	shalt  }
.Lfunc_end2:
_tile_overlayer_lowered:
.L_overlay_start_2:
0xbb: {  	(tag) =	ssettag $0x2  }
0xbc: {  	s0 =	rddreg [dreg:$0x0];
	s2 =	stileid.u32  }
0xbd: {  	s1 =	rddreg [dreg:$0x1];
	p0 =	sne.s32 s2, $0x0  }
0xbe: {  	s3 =	rddreg [dreg:$0x2];
	[bflag:$0x3] =	sbarrier.arrive $0xFFFF;
	s2 =	simm.s32 @!p0 $0x1C04  }
0xbf: {  	[timem:s3], [sflag:s2] =	dma.local @!p0 [hbm:s0], s1  }
0xc0: {  	s0 =	simm.s32 @!p0 $0x4  }
0xc1: {  	_ =	swait.ge @!p0 [sflag:s0], s1  }
0xc2: {  	s1 =	ssub.s32 @!p0 $0x0, s1;
	[sflag:s0] =	ssyncset.done @!p0 $0x0  }
0xc3: {  	[sflag:s0] =	ssyncadd.s32 @!p0 s1  }
0xc4: {  	[bflag:$0x3] =	sbarrier.arrive $0xFFFF  }
0xc5: {  	_ =	shalt  }

</sc_bundles>
